<compile_context>
chip_gen: v7x
topology: tpu7x:2x2x1
jax: 0.10.2.dev20260603
libtpu: 0.0.44.dev20260713+nightly
codegen_flags: <defaults>
</compile_context>

<pallas_src>
import functools

import jax
import jax.numpy as jnp
from jax import lax
from jax.experimental import pallas as pl
from jax.experimental.pallas import tpu as pltpu
from jax.experimental.pallas import tpu_sc as plsc

_T = 16
_N = 1000000
_V_TH = 1.0

_NW = 32
_U = 7936
_NU = _N // _U
_TAIL_OFF = _NU * _U
_TAIL = _N - _TAIL_OFF


def _sc_body(t_hbm, x_hbm, v_hbm, s_hbm, o_hbm,
             t_v, s_v, x_v, v_v, sem_a):
    wid = lax.axis_index("s") * 2 + lax.axis_index("c")

    pltpu.sync_copy(t_hbm, t_v)
    t = t_v[...][0]

    do_copy = jnp.logical_and(wid < _T, wid != t)

    @pl.when(do_copy)
    def _():
        pltpu.async_copy(s_hbm.at[wid], o_hbm.at[wid], sem_a)

    def unit_step(i, carry):
        base = (wid + i * _NW) * _U
        pltpu.sync_copy(s_hbm.at[t, 0, pl.ds(base, _U)], s_v)
        pltpu.sync_copy(x_hbm.at[t, 0, pl.ds(base, _U)], x_v)
        pltpu.sync_copy(v_hbm.at[pl.ds(base, _U)], v_v)

        def vec_step(j, c):
            sl = pl.ds(j * 16, 16)
            vnew = v_v[sl] + x_v[sl]
            fire = vnew >= _V_TH
            s_v[sl] = jnp.where(fire, jnp.float32(1.0), s_v[sl])
            return c

        lax.fori_loop(0, _U // 16, vec_step, 0, unroll=4)
        pltpu.sync_copy(s_v, o_hbm.at[t, 0, pl.ds(base, _U)])
        return carry

    n_units = (_NU - wid + _NW - 1) // _NW
    lax.fori_loop(0, n_units, unit_step, 0)

    @pl.when(do_copy)
    def _():
        pltpu.make_async_copy(s_hbm.at[wid], o_hbm.at[wid], sem_a).wait()


def _fix_body(sc_ref, t_ref, xt_ref, vt_ref, st_ref, o_ref):
    t = t_ref[0]
    o_ref[...] = sc_ref[...]
    vnew = vt_ref[...] + xt_ref[0, 0, :]
    fire = vnew >= _V_TH
    row = jnp.where(fire, jnp.float32(1.0), st_ref[0, 0, :])
    o_ref[pl.ds(t, 1), 0, 0:_TAIL] = row[None, :]


def kernel(t, x, v, s):
    t16 = jnp.full((16,), t, jnp.int32)
    mesh = plsc.VectorSubcoreMesh(core_axis_name="c", subcore_axis_name="s")
    run = functools.partial(
        pl.kernel, mesh=mesh,
        out_type=jax.ShapeDtypeStruct((_T, 1, _N), jnp.float32),
        scratch_types=[
            pltpu.VMEM((16,), jnp.int32),
            pltpu.VMEM((_U,), jnp.float32),
            pltpu.VMEM((_U,), jnp.float32),
            pltpu.VMEM((_U,), jnp.float32),
            pltpu.SemaphoreType.DMA,
        ],
    )(_sc_body)
    sc_out = run(t16, x, v, s)

    t_arr = jnp.asarray(t, jnp.int32).reshape(1)
    ti = jnp.asarray(t, jnp.int32)
    xt = lax.dynamic_slice(x, (ti, 0, _TAIL_OFF), (1, 1, _TAIL))
    st = lax.dynamic_slice(s, (ti, 0, _TAIL_OFF), (1, 1, _TAIL))
    vt = lax.dynamic_slice(v, (jnp.int32(_TAIL_OFF),), (_TAIL,))
    lastblk = _TAIL_OFF // 128
    return pl.pallas_call(
        _fix_body,
        grid=(1,),
        in_specs=[
            pl.BlockSpec((_T, 1, 128), lambda i: (0, 0, lastblk)),
            pl.BlockSpec(memory_space=pltpu.SMEM),
            pl.BlockSpec((1, 1, _TAIL), lambda i: (0, 0, 0)),
            pl.BlockSpec((_TAIL,), lambda i: (0,)),
            pl.BlockSpec((1, 1, _TAIL), lambda i: (0, 0, 0)),
        ],
        out_specs=pl.BlockSpec((_T, 1, 128), lambda i: (0, 0, lastblk)),
        out_shape=jax.ShapeDtypeStruct((_T, 1, _N), jnp.float32),
        input_output_aliases={0: 0},
    )(sc_out, t_arr, xt, vt, st)

# --- scband reference (transcript-rebuilt; emitter-appended) ---
"""Pipeline reference for scband-if1d-61246233641484 (READ-ONLY COPY).

The authoritative reference and input builder live on the scoring server;
editing this copy changes nothing except your own understanding.
"""

import jax, jax.numpy as jnp
import numpy as np

NEURONS = 1000000
T = 16
V_LEAK = 0.0
V_TH = 1.0
V_RESET = 0.0
V_MIN = -10.0 * V_TH  # v_min arg was None -> -10*threshold


def setup_inputs(seed: int = 0) -> dict:
    key = jax.random.key(seed)
    x = jax.random.normal(key, (T, 1, NEURONS), dtype=jnp.float32)
    # module state buffers, initialized to zeros as in __init__
    v = jnp.zeros((NEURONS,), dtype=jnp.float32)
    s = jnp.zeros((T, 1, NEURONS), dtype=jnp.float32)
    return {"t": 7, "x": x, "v": v, "s": s}


def reference(t, x, v, s):
    # self.v += self.v_leak + x[t, 0]
    v = v + V_LEAK + x[t, 0]
    # self.s[t, 0, self.v >= self.v_th] = 1
    fire = v >= V_TH
    s = s.at[t, 0].set(jnp.where(fire, jnp.float32(1.0), s[t, 0]))
    # self.v[self.v >= self.v_th] = self.v_reset
    v = jnp.where(fire, jnp.float32(V_RESET), v)
    # self.v[self.v < self.v_min] = self.v_min
    v = jnp.where(v < V_MIN, jnp.float32(V_MIN), v)
    # original forward returns self.s
    return s

if __name__ == "__main__":
    import jax
    _d = setup_inputs()
    print(jax.jit(kernel)(*tuple(_d.values())))

</pallas_src>

<mosaic_0001>
#map = affine_map<(d0, d1) -> (0)>
#map1 = affine_map<(d0, d1) -> (0, 0, 0)>
module attributes {stable_mosaic.version = 14 : i64} {
  func.func @_sc_body(%arg0: i32, %arg1: i32, %arg2: memref<16xi32, #tpu.memory_space<hbm>>, %arg3: memref<16x1x1000000xf32, #tpu.memory_space<hbm>>, %arg4: memref<1000000xf32, #tpu.memory_space<hbm>>, %arg5: memref<16x1x1000000xf32, #tpu.memory_space<hbm>>, %arg6: memref<16x1x1000000xf32, #tpu.memory_space<hbm>>, %arg7: memref<16xi32, #tpu.memory_space<vmem>>, %arg8: memref<7936xf32, #tpu.memory_space<vmem>>, %arg9: memref<7936xf32, #tpu.memory_space<vmem>>, %arg10: memref<7936xf32, #tpu.memory_space<vmem>>, %arg11: memref<!tpu.dma_semaphore, #tpu.memory_space<semaphore_mem>>) attributes {dimension_semantics = [#tpu.dimension_semantics<core_parallel>, #tpu.dimension_semantics<subcore_parallel>], iteration_bounds = array<i64: 2, 16>, scalar_prefetch = 0 : i64, scratch_operands = 5 : i64, tpu.core_type = #tpu.core_type<sc_vector_subcore>, window_params = [{transform_indices = #map}, {transform_indices = #map1}, {transform_indices = #map}, {transform_indices = #map1}, {transform_indices = #map1}]} {
    %mul3A = arith.constant 2 : i32
    %mul3A_0 = arith.muli %arg1, %mul3A : i32
    %add3A = arith.addi %mul3A_0, %arg0 : i32
    "tpu.region"() ({
      %run_scoped3A = tpu.sem_alloc : memref<!tpu.dma_semaphore, #tpu.memory_space<semaphore_mem>>
      tpu.enqueue_dma source(%arg2 : memref<16xi32, #tpu.memory_space<hbm>>) target(%arg7 : memref<16xi32, #tpu.memory_space<vmem>>) target_semaphore(%run_scoped3A : memref<!tpu.dma_semaphore, #tpu.memory_space<semaphore_mem>>)
      tpu.wait_dma2 semaphore(%run_scoped3A : memref<!tpu.dma_semaphore, #tpu.memory_space<semaphore_mem>>) src(%arg2 : memref<16xi32, #tpu.memory_space<hbm>>) dst(%arg7 : memref<16xi32, #tpu.memory_space<vmem>>)
      tpu.yield
    }) : () -> ()
    %get3A = arith.constant 0 : index
    %get3A_1 = tpu.vector_load %arg7[%get3A] {strides = array<i32>} : memref<16xi32, #tpu.memory_space<vmem>>, vector<16xi32>,
    %get3A_2 = vector.shape_cast %get3A_1 : vector<16xi32> to vector<16xi32>
    %slice3A = vector.extract_strided_slice %get3A_2 {offsets = [0], sizes = [1], strides = [1]} : vector<16xi32> to vector<1xi32>
    %squeeze3A = vector.extract %slice3A[0] : i32 from vector<1xi32>
    %lt3A = arith.constant 16 : i32
    %lt3A_3 = arith.cmpi slt, %add3A, %lt3A : i32
    %ne3A = arith.cmpi ne, %add3A, %squeeze3A : i32
    %and3A = arith.andi %lt3A_3, %ne3A : i1
    %convert_element_type3A = arith.extui %and3A : i1 to i32
    %cond3A = arith.constant 0 : i32
    %cond3A_4 = arith.cmpi ne, %convert_element_type3A, %cond3A : i32
    scf.if %cond3A_4 {
      %dma_start3A = arith.constant 0 : i32
      %dma_start3A_41 = arith.constant 0 : i32
      %dma_start3A_42 = tpu.memref_slice %arg6[%add3A, %dma_start3A, %dma_start3A_41] : memref<16x1x1000000xf32, #tpu.memory_space<hbm>> -> memref<1x1x1000000xf32, #tpu.memory_space<hbm>>
      %dma_start3A_43 = tpu.memref_squeeze %dma_start3A_42 : memref<1x1x1000000xf32, #tpu.memory_space<hbm>> -> memref<1x1000000xf32, #tpu.memory_space<hbm>>
      %dma_start3A_44 = arith.constant 0 : i32
      %dma_start3A_45 = arith.constant 0 : i32
      %dma_start3A_46 = tpu.memref_slice %arg5[%add3A, %dma_start3A_44, %dma_start3A_45] : memref<16x1x1000000xf32, #tpu.memory_space<hbm>> -> memref<1x1x1000000xf32, #tpu.memory_space<hbm>>
      %dma_start3A_47 = tpu.memref_squeeze %dma_start3A_46 : memref<1x1x1000000xf32, #tpu.memory_space<hbm>> -> memref<1x1000000xf32, #tpu.memory_space<hbm>>
      tpu.enqueue_dma source(%dma_start3A_47 : memref<1x1000000xf32, #tpu.memory_space<hbm>>) target(%dma_start3A_43 : memref<1x1000000xf32, #tpu.memory_space<hbm>>) target_semaphore(%arg11 : memref<!tpu.dma_semaphore, #tpu.memory_space<semaphore_mem>>)
    } else {
    }
    %sub3A = arith.constant 126 : i32
    %sub3A_5 = arith.subi %sub3A, %add3A : i32
    %add3A_6 = arith.constant 32 : i32
    %add3A_7 = arith.addi %sub3A_5, %add3A_6 : i32
    %sub3A_8 = arith.constant 1 : i32
    %sub3A_9 = arith.subi %add3A_7, %sub3A_8 : i32
    %jit3A = arith.constant 32 : i32
    %div3A = arith.divsi %sub3A_9, %jit3A : i32
    %sign3A = arith.constant 0 : i32
    %sign3A_10 = arith.cmpi sgt, %sub3A_9, %sign3A : i32
    %sign3A_11 = arith.extui %sign3A_10 : i1 to i32
    %sign3A_12 = arith.constant 0 : i32
    %sign3A_13 = arith.cmpi slt, %sub3A_9, %sign3A_12 : i32
    %sign3A_14 = arith.extui %sign3A_13 : i1 to i32
    %sign3A_15 = arith.subi %sign3A_11, %sign3A_14 : i32
    %sign3A_16 = arith.constant 0 : i32
    %sign3A_17 = arith.cmpi sgt, %jit3A, %sign3A_16 : i32
    %sign3A_18 = arith.extui %sign3A_17 : i1 to i32
    %sign3A_19 = arith.constant 0 : i32
    %sign3A_20 = arith.cmpi slt, %jit3A, %sign3A_19 : i32
    %sign3A_21 = arith.extui %sign3A_20 : i1 to i32
    %sign3A_22 = arith.subi %sign3A_18, %sign3A_21 : i32
    %ne3A_23 = arith.cmpi ne, %sign3A_15, %sign3A_22 : i32
    %rem3A = arith.remsi %sub3A_9, %jit3A : i32
    %ne3A_24 = arith.constant 0 : i32
    %ne3A_25 = arith.cmpi ne, %rem3A, %ne3A_24 : i32
    %and3A_26 = arith.andi %ne3A_23, %ne3A_25 : i1
    %sub3A_27 = arith.constant 1 : i32
    %sub3A_28 = arith.subi %div3A, %sub3A_27 : i32
    %select_n3A = arith.select %and3A_26, %sub3A_28, %div3A : i32
    %while3A = arith.constant 0 : i32
    %while3A_29 = arith.constant 0 : i32
    %while3A_30 = arith.subi %select_n3A, %while3A_29 : i32
    %while3A_31 = arith.addi %while3A_29, %while3A_30 : i32
    %while3A_32 = arith.constant 1 : i32
    %while3A_33 = arith.divsi %while3A_30, %while3A_32 : i32
    %while3A_34 = arith.muli %while3A_33, %while3A_32 : i32
    %while3A_35 = arith.addi %while3A_29, %while3A_34 : i32
    %while3A_36 = arith.constant 1 : i32
    scf.for %while3A_41 = %while3A_29 to %while3A_35 step %while3A_36  : i32 {
      %mul3A_42 = arith.constant 32 : i32
      %mul3A_43 = arith.muli %while3A_41, %mul3A_42 : i32
      %add3A_44 = arith.addi %add3A, %mul3A_43 : i32
      %mul3A_45 = arith.constant 7936 : i32
      %mul3A_46 = arith.muli %add3A_44, %mul3A_45 : i32
      %run_scoped3A = arith.constant 0 : i32
      "tpu.region"() ({
        %run_scoped3A_54 = tpu.sem_alloc : memref<!tpu.dma_semaphore, #tpu.memory_space<semaphore_mem>>
        %dma_start3A = tpu.memref_slice %arg5[%squeeze3A, %run_scoped3A, %mul3A_46] : memref<16x1x1000000xf32, #tpu.memory_space<hbm>> -> memref<1x1x7936xf32, #tpu.memory_space<hbm>>
        %dma_start3A_55 = tpu.memref_squeeze %dma_start3A : memref<1x1x7936xf32, #tpu.memory_space<hbm>> -> memref<7936xf32, #tpu.memory_space<hbm>>
        %dma_start3A_56 = tpu.memref_slice %arg5[%squeeze3A, %run_scoped3A, %mul3A_46] : memref<16x1x1000000xf32, #tpu.memory_space<hbm>> -> memref<1x1x7936xf32, #tpu.memory_space<hbm>>
        %dma_start3A_57 = tpu.memref_squeeze %dma_start3A_56 : memref<1x1x7936xf32, #tpu.memory_space<hbm>> -> memref<7936xf32, #tpu.memory_space<hbm>>
        tpu.enqueue_dma source(%dma_start3A_57 : memref<7936xf32, #tpu.memory_space<hbm>>) target(%arg8 : memref<7936xf32, #tpu.memory_space<vmem>>) target_semaphore(%run_scoped3A_54 : memref<!tpu.dma_semaphore, #tpu.memory_space<semaphore_mem>>)
        %dma_wait3A = tpu.memref_slice %arg5[%squeeze3A, %run_scoped3A, %mul3A_46] : memref<16x1x1000000xf32, #tpu.memory_space<hbm>> -> memref<1x1x7936xf32, #tpu.memory_space<hbm>>
        %dma_wait3A_58 = tpu.memref_squeeze %dma_wait3A : memref<1x1x7936xf32, #tpu.memory_space<hbm>> -> memref<7936xf32, #tpu.memory_space<hbm>>
        %dma_wait3A_59 = tpu.memref_slice %arg5[%squeeze3A, %run_scoped3A, %mul3A_46] : memref<16x1x1000000xf32, #tpu.memory_space<hbm>> -> memref<1x1x7936xf32, #tpu.memory_space<hbm>>
        %dma_wait3A_60 = tpu.memref_squeeze %dma_wait3A_59 : memref<1x1x7936xf32, #tpu.memory_space<hbm>> -> memref<7936xf32, #tpu.memory_space<hbm>>
        tpu.wait_dma2 semaphore(%run_scoped3A_54 : memref<!tpu.dma_semaphore, #tpu.memory_space<semaphore_mem>>) src(%dma_wait3A_60 : memref<7936xf32, #tpu.memory_space<hbm>>) dst(%arg8 : memref<7936xf32, #tpu.memory_space<vmem>>)
        tpu.yield
      }) : () -> ()
      %run_scoped3A_47 = arith.constant 0 : i32
      "tpu.region"() ({
        %run_scoped3A_54 = tpu.sem_alloc : memref<!tpu.dma_semaphore, #tpu.memory_space<semaphore_mem>>
        %dma_start3A = tpu.memref_slice %arg3[%squeeze3A, %run_scoped3A_47, %mul3A_46] : memref<16x1x1000000xf32, #tpu.memory_space<hbm>> -> memref<1x1x7936xf32, #tpu.memory_space<hbm>>
        %dma_start3A_55 = tpu.memref_squeeze %dma_start3A : memref<1x1x7936xf32, #tpu.memory_space<hbm>> -> memref<7936xf32, #tpu.memory_space<hbm>>
        %dma_start3A_56 = tpu.memref_slice %arg3[%squeeze3A, %run_scoped3A_47, %mul3A_46] : memref<16x1x1000000xf32, #tpu.memory_space<hbm>> -> memref<1x1x7936xf32, #tpu.memory_space<hbm>>
        %dma_start3A_57 = tpu.memref_squeeze %dma_start3A_56 : memref<1x1x7936xf32, #tpu.memory_space<hbm>> -> memref<7936xf32, #tpu.memory_space<hbm>>
        tpu.enqueue_dma source(%dma_start3A_57 : memref<7936xf32, #tpu.memory_space<hbm>>) target(%arg9 : memref<7936xf32, #tpu.memory_space<vmem>>) target_semaphore(%run_scoped3A_54 : memref<!tpu.dma_semaphore, #tpu.memory_space<semaphore_mem>>)
        %dma_wait3A = tpu.memref_slice %arg3[%squeeze3A, %run_scoped3A_47, %mul3A_46] : memref<16x1x1000000xf32, #tpu.memory_space<hbm>> -> memref<1x1x7936xf32, #tpu.memory_space<hbm>>
        %dma_wait3A_58 = tpu.memref_squeeze %dma_wait3A : memref<1x1x7936xf32, #tpu.memory_space<hbm>> -> memref<7936xf32, #tpu.memory_space<hbm>>
        %dma_wait3A_59 = tpu.memref_slice %arg3[%squeeze3A, %run_scoped3A_47, %mul3A_46] : memref<16x1x1000000xf32, #tpu.memory_space<hbm>> -> memref<1x1x7936xf32, #tpu.memory_space<hbm>>
        %dma_wait3A_60 = tpu.memref_squeeze %dma_wait3A_59 : memref<1x1x7936xf32, #tpu.memory_space<hbm>> -> memref<7936xf32, #tpu.memory_space<hbm>>
        tpu.wait_dma2 semaphore(%run_scoped3A_54 : memref<!tpu.dma_semaphore, #tpu.memory_space<semaphore_mem>>) src(%dma_wait3A_60 : memref<7936xf32, #tpu.memory_space<hbm>>) dst(%arg9 : memref<7936xf32, #tpu.memory_space<vmem>>)
        tpu.yield
      }) : () -> ()
      "tpu.region"() ({
        %run_scoped3A_54 = tpu.sem_alloc : memref<!tpu.dma_semaphore, #tpu.memory_space<semaphore_mem>>
        %dma_start3A = tpu.memref_slice %arg4[%mul3A_46] : memref<1000000xf32, #tpu.memory_space<hbm>> -> memref<7936xf32, #tpu.memory_space<hbm>>
        %dma_start3A_55 = tpu.memref_slice %arg4[%mul3A_46] : memref<1000000xf32, #tpu.memory_space<hbm>> -> memref<7936xf32, #tpu.memory_space<hbm>>
        tpu.enqueue_dma source(%dma_start3A_55 : memref<7936xf32, #tpu.memory_space<hbm>>) target(%arg10 : memref<7936xf32, #tpu.memory_space<vmem>>) target_semaphore(%run_scoped3A_54 : memref<!tpu.dma_semaphore, #tpu.memory_space<semaphore_mem>>)
        %dma_wait3A = tpu.memref_slice %arg4[%mul3A_46] : memref<1000000xf32, #tpu.memory_space<hbm>> -> memref<7936xf32, #tpu.memory_space<hbm>>
        %dma_wait3A_56 = tpu.memref_slice %arg4[%mul3A_46] : memref<1000000xf32, #tpu.memory_space<hbm>> -> memref<7936xf32, #tpu.memory_space<hbm>>
        tpu.wait_dma2 semaphore(%run_scoped3A_54 : memref<!tpu.dma_semaphore, #tpu.memory_space<semaphore_mem>>) src(%dma_wait3A_56 : memref<7936xf32, #tpu.memory_space<hbm>>) dst(%arg10 : memref<7936xf32, #tpu.memory_space<vmem>>)
        tpu.yield
      }) : () -> ()
      %scan3A = arith.constant 0 : i32
      %scan3A_48 = arith.constant 0 : i32
      %scan3A_49 = arith.constant 496 : i32
      %scan3A_50 = arith.addi %scan3A_48, %scan3A_49 : i32
      %scan3A_51 = arith.constant 4 : i32
      scf.for %scan3A_54 = %scan3A_48 to %scan3A_50 step %scan3A_51  : i32 {
        %mul3A_55 = arith.constant 16 : i32
        %mul3A_56 = arith.muli %scan3A_54, %mul3A_55 : i32
        %get3A_57 = arith.index_cast %mul3A_56 : i32 to index
        %get3A_58 = tpu.vector_load %arg10[%get3A_57] {strides = array<i32>} : memref<7936xf32, #tpu.memory_space<vmem>>, vector<16xf32>,
        %get3A_59 = vector.shape_cast %get3A_58 : vector<16xf32> to vector<16xf32>
        %get3A_60 = arith.index_cast %mul3A_56 : i32 to index
        %get3A_61 = tpu.vector_load %arg9[%get3A_60] {strides = array<i32>} : memref<7936xf32, #tpu.memory_space<vmem>>, vector<16xf32>,
        %get3A_62 = vector.shape_cast %get3A_61 : vector<16xf32> to vector<16xf32>
        %add3A_63 = arith.addf %get3A_59, %get3A_62 : vector<16xf32>
        %ge3A = arith.constant 1.000000e+00 : f32
        %ge3A_64 = vector.broadcast %ge3A : f32 to vector<16xf32>
        %ge3A_65 = arith.cmpf oge, %add3A_63, %ge3A_64 : vector<16xf32>
        %get3A_66 = arith.index_cast %mul3A_56 : i32 to index
        %get3A_67 = tpu.vector_load %arg8[%get3A_66] {strides = array<i32>} : memref<7936xf32, #tpu.memory_space<vmem>>, vector<16xf32>,
        %get3A_68 = vector.shape_cast %get3A_67 : vector<16xf32> to vector<16xf32>
        %jit3A_69 = arith.constant 1.000000e+00 : f32
        %broadcast_in_dim3A = vector.broadcast %jit3A_69 : f32 to vector<16xf32>
        %select_n3A_70 = arith.select %ge3A_65, %broadcast_in_dim3A, %get3A_68 : vector<16xi1>, vector<16xf32>
        %swap3A = arith.index_cast %mul3A_56 : i32 to index
        %swap3A_71 = tpu.vector_load %arg8[%swap3A] {strides = array<i32>} : memref<7936xf32, #tpu.memory_space<vmem>>, vector<16xf32>,
        %swap3A_72 = vector.shape_cast %swap3A_71 : vector<16xf32> to vector<16xf32>
        %swap3A_73 = vector.shape_cast %select_n3A_70 : vector<16xf32> to vector<16xf32>
        tpu.vector_store %arg8[%swap3A], %swap3A_73 {strides = array<i32>} : memref<7936xf32, #tpu.memory_space<vmem>>, vector<16xf32>,
        %scan3A_74 = arith.constant 1 : i32
        %scan3A_75 = arith.addi %scan3A_54, %scan3A_74 : i32
        %mul3A_76 = arith.constant 16 : i32
        %mul3A_77 = arith.muli %scan3A_75, %mul3A_76 : i32
        %get3A_78 = arith.index_cast %mul3A_77 : i32 to index
        %get3A_79 = tpu.vector_load %arg10[%get3A_78] {strides = array<i32>} : memref<7936xf32, #tpu.memory_space<vmem>>, vector<16xf32>,
        %get3A_80 = vector.shape_cast %get3A_79 : vector<16xf32> to vector<16xf32>
        %get3A_81 = arith.index_cast %mul3A_77 : i32 to index
        %get3A_82 = tpu.vector_load %arg9[%get3A_81] {strides = array<i32>} : memref<7936xf32, #tpu.memory_space<vmem>>, vector<16xf32>,
        %get3A_83 = vector.shape_cast %get3A_82 : vector<16xf32> to vector<16xf32>
        %add3A_84 = arith.addf %get3A_80, %get3A_83 : vector<16xf32>
        %ge3A_85 = arith.constant 1.000000e+00 : f32
        %ge3A_86 = vector.broadcast %ge3A_85 : f32 to vector<16xf32>
        %ge3A_87 = arith.cmpf oge, %add3A_84, %ge3A_86 : vector<16xf32>
        %get3A_88 = arith.index_cast %mul3A_77 : i32 to index
        %get3A_89 = tpu.vector_load %arg8[%get3A_88] {strides = array<i32>} : memref<7936xf32, #tpu.memory_space<vmem>>, vector<16xf32>,
        %get3A_90 = vector.shape_cast %get3A_89 : vector<16xf32> to vector<16xf32>
        %jit3A_91 = arith.constant 1.000000e+00 : f32
        %broadcast_in_dim3A_92 = vector.broadcast %jit3A_91 : f32 to vector<16xf32>
        %select_n3A_93 = arith.select %ge3A_87, %broadcast_in_dim3A_92, %get3A_90 : vector<16xi1>, vector<16xf32>
        %swap3A_94 = arith.index_cast %mul3A_77 : i32 to index
        %swap3A_95 = tpu.vector_load %arg8[%swap3A_94] {strides = array<i32>} : memref<7936xf32, #tpu.memory_space<vmem>>, vector<16xf32>,
        %swap3A_96 = vector.shape_cast %swap3A_95 : vector<16xf32> to vector<16xf32>
        %swap3A_97 = vector.shape_cast %select_n3A_93 : vector<16xf32> to vector<16xf32>
        tpu.vector_store %arg8[%swap3A_94], %swap3A_97 {strides = array<i32>} : memref<7936xf32, #tpu.memory_space<vmem>>, vector<16xf32>,
        %scan3A_98 = arith.constant 2 : i32
        %scan3A_99 = arith.addi %scan3A_54, %scan3A_98 : i32
        %mul3A_100 = arith.constant 16 : i32
        %mul3A_101 = arith.muli %scan3A_99, %mul3A_100 : i32
        %get3A_102 = arith.index_cast %mul3A_101 : i32 to index
        %get3A_103 = tpu.vector_load %arg10[%get3A_102] {strides = array<i32>} : memref<7936xf32, #tpu.memory_space<vmem>>, vector<16xf32>,
        %get3A_104 = vector.shape_cast %get3A_103 : vector<16xf32> to vector<16xf32>
        %get3A_105 = arith.index_cast %mul3A_101 : i32 to index
        %get3A_106 = tpu.vector_load %arg9[%get3A_105] {strides = array<i32>} : memref<7936xf32, #tpu.memory_space<vmem>>, vector<16xf32>,
        %get3A_107 = vector.shape_cast %get3A_106 : vector<16xf32> to vector<16xf32>
        %add3A_108 = arith.addf %get3A_104, %get3A_107 : vector<16xf32>
        %ge3A_109 = arith.constant 1.000000e+00 : f32
        %ge3A_110 = vector.broadcast %ge3A_109 : f32 to vector<16xf32>
        %ge3A_111 = arith.cmpf oge, %add3A_108, %ge3A_110 : vector<16xf32>
        %get3A_112 = arith.index_cast %mul3A_101 : i32 to index
        %get3A_113 = tpu.vector_load %arg8[%get3A_112] {strides = array<i32>} : memref<7936xf32, #tpu.memory_space<vmem>>, vector<16xf32>,
        %get3A_114 = vector.shape_cast %get3A_113 : vector<16xf32> to vector<16xf32>
        %jit3A_115 = arith.constant 1.000000e+00 : f32
        %broadcast_in_dim3A_116 = vector.broadcast %jit3A_115 : f32 to vector<16xf32>
        %select_n3A_117 = arith.select %ge3A_111, %broadcast_in_dim3A_116, %get3A_114 : vector<16xi1>, vector<16xf32>
        %swap3A_118 = arith.index_cast %mul3A_101 : i32 to index
        %swap3A_119 = tpu.vector_load %arg8[%swap3A_118] {strides = array<i32>} : memref<7936xf32, #tpu.memory_space<vmem>>, vector<16xf32>,
        %swap3A_120 = vector.shape_cast %swap3A_119 : vector<16xf32> to vector<16xf32>
        %swap3A_121 = vector.shape_cast %select_n3A_117 : vector<16xf32> to vector<16xf32>
        tpu.vector_store %arg8[%swap3A_118], %swap3A_121 {strides = array<i32>} : memref<7936xf32, #tpu.memory_space<vmem>>, vector<16xf32>,
        %scan3A_122 = arith.constant 3 : i32
        %scan3A_123 = arith.addi %scan3A_54, %scan3A_122 : i32
        %mul3A_124 = arith.constant 16 : i32
        %mul3A_125 = arith.muli %scan3A_123, %mul3A_124 : i32
        %get3A_126 = arith.index_cast %mul3A_125 : i32 to index
        %get3A_127 = tpu.vector_load %arg10[%get3A_126] {strides = array<i32>} : memref<7936xf32, #tpu.memory_space<vmem>>, vector<16xf32>,
        %get3A_128 = vector.shape_cast %get3A_127 : vector<16xf32> to vector<16xf32>
        %get3A_129 = arith.index_cast %mul3A_125 : i32 to index
        %get3A_130 = tpu.vector_load %arg9[%get3A_129] {strides = array<i32>} : memref<7936xf32, #tpu.memory_space<vmem>>, vector<16xf32>,
        %get3A_131 = vector.shape_cast %get3A_130 : vector<16xf32> to vector<16xf32>
        %add3A_132 = arith.addf %get3A_128, %get3A_131 : vector<16xf32>
        %ge3A_133 = arith.constant 1.000000e+00 : f32
        %ge3A_134 = vector.broadcast %ge3A_133 : f32 to vector<16xf32>
        %ge3A_135 = arith.cmpf oge, %add3A_132, %ge3A_134 : vector<16xf32>
        %get3A_136 = arith.index_cast %mul3A_125 : i32 to index
        %get3A_137 = tpu.vector_load %arg8[%get3A_136] {strides = array<i32>} : memref<7936xf32, #tpu.memory_space<vmem>>, vector<16xf32>,
        %get3A_138 = vector.shape_cast %get3A_137 : vector<16xf32> to vector<16xf32>
        %jit3A_139 = arith.constant 1.000000e+00 : f32
        %broadcast_in_dim3A_140 = vector.broadcast %jit3A_139 : f32 to vector<16xf32>
        %select_n3A_141 = arith.select %ge3A_135, %broadcast_in_dim3A_140, %get3A_138 : vector<16xi1>, vector<16xf32>
        %swap3A_142 = arith.index_cast %mul3A_125 : i32 to index
        %swap3A_143 = tpu.vector_load %arg8[%swap3A_142] {strides = array<i32>} : memref<7936xf32, #tpu.memory_space<vmem>>, vector<16xf32>,
        %swap3A_144 = vector.shape_cast %swap3A_143 : vector<16xf32> to vector<16xf32>
        %swap3A_145 = vector.shape_cast %select_n3A_141 : vector<16xf32> to vector<16xf32>
        tpu.vector_store %arg8[%swap3A_142], %swap3A_145 {strides = array<i32>} : memref<7936xf32, #tpu.memory_space<vmem>>, vector<16xf32>,
      }
      %scan3A_52 = arith.constant 496 : i32
      %run_scoped3A_53 = arith.constant 0 : i32
      "tpu.region"() ({
        %run_scoped3A_54 = tpu.sem_alloc : memref<!tpu.dma_semaphore, #tpu.memory_space<semaphore_mem>>
        %dma_start3A = tpu.memref_slice %arg6[%squeeze3A, %run_scoped3A_53, %mul3A_46] : memref<16x1x1000000xf32, #tpu.memory_space<hbm>> -> memref<1x1x7936xf32, #tpu.memory_space<hbm>>
        %dma_start3A_55 = tpu.memref_squeeze %dma_start3A : memref<1x1x7936xf32, #tpu.memory_space<hbm>> -> memref<7936xf32, #tpu.memory_space<hbm>>
        %dma_start3A_56 = tpu.memref_slice %arg6[%squeeze3A, %run_scoped3A_53, %mul3A_46] : memref<16x1x1000000xf32, #tpu.memory_space<hbm>> -> memref<1x1x7936xf32, #tpu.memory_space<hbm>>
        %dma_start3A_57 = tpu.memref_squeeze %dma_start3A_56 : memref<1x1x7936xf32, #tpu.memory_space<hbm>> -> memref<7936xf32, #tpu.memory_space<hbm>>
        tpu.enqueue_dma source(%arg8 : memref<7936xf32, #tpu.memory_space<vmem>>) target(%dma_start3A_57 : memref<7936xf32, #tpu.memory_space<hbm>>) target_semaphore(%run_scoped3A_54 : memref<!tpu.dma_semaphore, #tpu.memory_space<semaphore_mem>>)
        %dma_wait3A = tpu.memref_slice %arg6[%squeeze3A, %run_scoped3A_53, %mul3A_46] : memref<16x1x1000000xf32, #tpu.memory_space<hbm>> -> memref<1x1x7936xf32, #tpu.memory_space<hbm>>
        %dma_wait3A_58 = tpu.memref_squeeze %dma_wait3A : memref<1x1x7936xf32, #tpu.memory_space<hbm>> -> memref<7936xf32, #tpu.memory_space<hbm>>
        %dma_wait3A_59 = tpu.memref_slice %arg6[%squeeze3A, %run_scoped3A_53, %mul3A_46] : memref<16x1x1000000xf32, #tpu.memory_space<hbm>> -> memref<1x1x7936xf32, #tpu.memory_space<hbm>>
        %dma_wait3A_60 = tpu.memref_squeeze %dma_wait3A_59 : memref<1x1x7936xf32, #tpu.memory_space<hbm>> -> memref<7936xf32, #tpu.memory_space<hbm>>
        tpu.wait_dma2 semaphore(%run_scoped3A_54 : memref<!tpu.dma_semaphore, #tpu.memory_space<semaphore_mem>>) src(%arg8 : memref<7936xf32, #tpu.memory_space<vmem>>) dst(%dma_wait3A_60 : memref<7936xf32, #tpu.memory_space<hbm>>)
        tpu.yield
      }) : () -> ()
    }
    %while3A_37 = arith.constant 1 : i32
    scf.for %while3A_41 = %while3A_35 to %while3A_31 step %while3A_37  : i32 {
      %mul3A_42 = arith.constant 32 : i32
      %mul3A_43 = arith.muli %while3A_41, %mul3A_42 : i32
      %add3A_44 = arith.addi %add3A, %mul3A_43 : i32
      %mul3A_45 = arith.constant 7936 : i32
      %mul3A_46 = arith.muli %add3A_44, %mul3A_45 : i32
      %run_scoped3A = arith.constant 0 : i32
      "tpu.region"() ({
        %run_scoped3A_54 = tpu.sem_alloc : memref<!tpu.dma_semaphore, #tpu.memory_space<semaphore_mem>>
        %dma_start3A = tpu.memref_slice %arg5[%squeeze3A, %run_scoped3A, %mul3A_46] : memref<16x1x1000000xf32, #tpu.memory_space<hbm>> -> memref<1x1x7936xf32, #tpu.memory_space<hbm>>
        %dma_start3A_55 = tpu.memref_squeeze %dma_start3A : memref<1x1x7936xf32, #tpu.memory_space<hbm>> -> memref<7936xf32, #tpu.memory_space<hbm>>
        %dma_start3A_56 = tpu.memref_slice %arg5[%squeeze3A, %run_scoped3A, %mul3A_46] : memref<16x1x1000000xf32, #tpu.memory_space<hbm>> -> memref<1x1x7936xf32, #tpu.memory_space<hbm>>
        %dma_start3A_57 = tpu.memref_squeeze %dma_start3A_56 : memref<1x1x7936xf32, #tpu.memory_space<hbm>> -> memref<7936xf32, #tpu.memory_space<hbm>>
        tpu.enqueue_dma source(%dma_start3A_57 : memref<7936xf32, #tpu.memory_space<hbm>>) target(%arg8 : memref<7936xf32, #tpu.memory_space<vmem>>) target_semaphore(%run_scoped3A_54 : memref<!tpu.dma_semaphore, #tpu.memory_space<semaphore_mem>>)
        %dma_wait3A = tpu.memref_slice %arg5[%squeeze3A, %run_scoped3A, %mul3A_46] : memref<16x1x1000000xf32, #tpu.memory_space<hbm>> -> memref<1x1x7936xf32, #tpu.memory_space<hbm>>
        %dma_wait3A_58 = tpu.memref_squeeze %dma_wait3A : memref<1x1x7936xf32, #tpu.memory_space<hbm>> -> memref<7936xf32, #tpu.memory_space<hbm>>
        %dma_wait3A_59 = tpu.memref_slice %arg5[%squeeze3A, %run_scoped3A, %mul3A_46] : memref<16x1x1000000xf32, #tpu.memory_space<hbm>> -> memref<1x1x7936xf32, #tpu.memory_space<hbm>>
        %dma_wait3A_60 = tpu.memref_squeeze %dma_wait3A_59 : memref<1x1x7936xf32, #tpu.memory_space<hbm>> -> memref<7936xf32, #tpu.memory_space<hbm>>
        tpu.wait_dma2 semaphore(%run_scoped3A_54 : memref<!tpu.dma_semaphore, #tpu.memory_space<semaphore_mem>>) src(%dma_wait3A_60 : memref<7936xf32, #tpu.memory_space<hbm>>) dst(%arg8 : memref<7936xf32, #tpu.memory_space<vmem>>)
        tpu.yield
      }) : () -> ()
      %run_scoped3A_47 = arith.constant 0 : i32
      "tpu.region"() ({
        %run_scoped3A_54 = tpu.sem_alloc : memref<!tpu.dma_semaphore, #tpu.memory_space<semaphore_mem>>
        %dma_start3A = tpu.memref_slice %arg3[%squeeze3A, %run_scoped3A_47, %mul3A_46] : memref<16x1x1000000xf32, #tpu.memory_space<hbm>> -> memref<1x1x7936xf32, #tpu.memory_space<hbm>>
        %dma_start3A_55 = tpu.memref_squeeze %dma_start3A : memref<1x1x7936xf32, #tpu.memory_space<hbm>> -> memref<7936xf32, #tpu.memory_space<hbm>>
        %dma_start3A_56 = tpu.memref_slice %arg3[%squeeze3A, %run_scoped3A_47, %mul3A_46] : memref<16x1x1000000xf32, #tpu.memory_space<hbm>> -> memref<1x1x7936xf32, #tpu.memory_space<hbm>>
        %dma_start3A_57 = tpu.memref_squeeze %dma_start3A_56 : memref<1x1x7936xf32, #tpu.memory_space<hbm>> -> memref<7936xf32, #tpu.memory_space<hbm>>
        tpu.enqueue_dma source(%dma_start3A_57 : memref<7936xf32, #tpu.memory_space<hbm>>) target(%arg9 : memref<7936xf32, #tpu.memory_space<vmem>>) target_semaphore(%run_scoped3A_54 : memref<!tpu.dma_semaphore, #tpu.memory_space<semaphore_mem>>)
        %dma_wait3A = tpu.memref_slice %arg3[%squeeze3A, %run_scoped3A_47, %mul3A_46] : memref<16x1x1000000xf32, #tpu.memory_space<hbm>> -> memref<1x1x7936xf32, #tpu.memory_space<hbm>>
        %dma_wait3A_58 = tpu.memref_squeeze %dma_wait3A : memref<1x1x7936xf32, #tpu.memory_space<hbm>> -> memref<7936xf32, #tpu.memory_space<hbm>>
        %dma_wait3A_59 = tpu.memref_slice %arg3[%squeeze3A, %run_scoped3A_47, %mul3A_46] : memref<16x1x1000000xf32, #tpu.memory_space<hbm>> -> memref<1x1x7936xf32, #tpu.memory_space<hbm>>
        %dma_wait3A_60 = tpu.memref_squeeze %dma_wait3A_59 : memref<1x1x7936xf32, #tpu.memory_space<hbm>> -> memref<7936xf32, #tpu.memory_space<hbm>>
        tpu.wait_dma2 semaphore(%run_scoped3A_54 : memref<!tpu.dma_semaphore, #tpu.memory_space<semaphore_mem>>) src(%dma_wait3A_60 : memref<7936xf32, #tpu.memory_space<hbm>>) dst(%arg9 : memref<7936xf32, #tpu.memory_space<vmem>>)
        tpu.yield
      }) : () -> ()
      "tpu.region"() ({
        %run_scoped3A_54 = tpu.sem_alloc : memref<!tpu.dma_semaphore, #tpu.memory_space<semaphore_mem>>
        %dma_start3A = tpu.memref_slice %arg4[%mul3A_46] : memref<1000000xf32, #tpu.memory_space<hbm>> -> memref<7936xf32, #tpu.memory_space<hbm>>
        %dma_start3A_55 = tpu.memref_slice %arg4[%mul3A_46] : memref<1000000xf32, #tpu.memory_space<hbm>> -> memref<7936xf32, #tpu.memory_space<hbm>>
        tpu.enqueue_dma source(%dma_start3A_55 : memref<7936xf32, #tpu.memory_space<hbm>>) target(%arg10 : memref<7936xf32, #tpu.memory_space<vmem>>) target_semaphore(%run_scoped3A_54 : memref<!tpu.dma_semaphore, #tpu.memory_space<semaphore_mem>>)
        %dma_wait3A = tpu.memref_slice %arg4[%mul3A_46] : memref<1000000xf32, #tpu.memory_space<hbm>> -> memref<7936xf32, #tpu.memory_space<hbm>>
        %dma_wait3A_56 = tpu.memref_slice %arg4[%mul3A_46] : memref<1000000xf32, #tpu.memory_space<hbm>> -> memref<7936xf32, #tpu.memory_space<hbm>>
        tpu.wait_dma2 semaphore(%run_scoped3A_54 : memref<!tpu.dma_semaphore, #tpu.memory_space<semaphore_mem>>) src(%dma_wait3A_56 : memref<7936xf32, #tpu.memory_space<hbm>>) dst(%arg10 : memref<7936xf32, #tpu.memory_space<vmem>>)
        tpu.yield
      }) : () -> ()
      %scan3A = arith.constant 0 : i32
      %scan3A_48 = arith.constant 0 : i32
      %scan3A_49 = arith.constant 496 : i32
      %scan3A_50 = arith.addi %scan3A_48, %scan3A_49 : i32
      %scan3A_51 = arith.constant 4 : i32
      scf.for %scan3A_54 = %scan3A_48 to %scan3A_50 step %scan3A_51  : i32 {
        %mul3A_55 = arith.constant 16 : i32
        %mul3A_56 = arith.muli %scan3A_54, %mul3A_55 : i32
        %get3A_57 = arith.index_cast %mul3A_56 : i32 to index
        %get3A_58 = tpu.vector_load %arg10[%get3A_57] {strides = array<i32>} : memref<7936xf32, #tpu.memory_space<vmem>>, vector<16xf32>,
        %get3A_59 = vector.shape_cast %get3A_58 : vector<16xf32> to vector<16xf32>
        %get3A_60 = arith.index_cast %mul3A_56 : i32 to index
        %get3A_61 = tpu.vector_load %arg9[%get3A_60] {strides = array<i32>} : memref<7936xf32, #tpu.memory_space<vmem>>, vector<16xf32>,
        %get3A_62 = vector.shape_cast %get3A_61 : vector<16xf32> to vector<16xf32>
        %add3A_63 = arith.addf %get3A_59, %get3A_62 : vector<16xf32>
        %ge3A = arith.constant 1.000000e+00 : f32
        %ge3A_64 = vector.broadcast %ge3A : f32 to vector<16xf32>
        %ge3A_65 = arith.cmpf oge, %add3A_63, %ge3A_64 : vector<16xf32>
        %get3A_66 = arith.index_cast %mul3A_56 : i32 to index
        %get3A_67 = tpu.vector_load %arg8[%get3A_66] {strides = array<i32>} : memref<7936xf32, #tpu.memory_space<vmem>>, vector<16xf32>,
        %get3A_68 = vector.shape_cast %get3A_67 : vector<16xf32> to vector<16xf32>
        %jit3A_69 = arith.constant 1.000000e+00 : f32
        %broadcast_in_dim3A = vector.broadcast %jit3A_69 : f32 to vector<16xf32>
        %select_n3A_70 = arith.select %ge3A_65, %broadcast_in_dim3A, %get3A_68 : vector<16xi1>, vector<16xf32>
        %swap3A = arith.index_cast %mul3A_56 : i32 to index
        %swap3A_71 = tpu.vector_load %arg8[%swap3A] {strides = array<i32>} : memref<7936xf32, #tpu.memory_space<vmem>>, vector<16xf32>,
        %swap3A_72 = vector.shape_cast %swap3A_71 : vector<16xf32> to vector<16xf32>
        %swap3A_73 = vector.shape_cast %select_n3A_70 : vector<16xf32> to vector<16xf32>
        tpu.vector_store %arg8[%swap3A], %swap3A_73 {strides = array<i32>} : memref<7936xf32, #tpu.memory_space<vmem>>, vector<16xf32>,
        %scan3A_74 = arith.constant 1 : i32
        %scan3A_75 = arith.addi %scan3A_54, %scan3A_74 : i32
        %mul3A_76 = arith.constant 16 : i32
        %mul3A_77 = arith.muli %scan3A_75, %mul3A_76 : i32
        %get3A_78 = arith.index_cast %mul3A_77 : i32 to index
        %get3A_79 = tpu.vector_load %arg10[%get3A_78] {strides = array<i32>} : memref<7936xf32, #tpu.memory_space<vmem>>, vector<16xf32>,
        %get3A_80 = vector.shape_cast %get3A_79 : vector<16xf32> to vector<16xf32>
        %get3A_81 = arith.index_cast %mul3A_77 : i32 to index
        %get3A_82 = tpu.vector_load %arg9[%get3A_81] {strides = array<i32>} : memref<7936xf32, #tpu.memory_space<vmem>>, vector<16xf32>,
        %get3A_83 = vector.shape_cast %get3A_82 : vector<16xf32> to vector<16xf32>
        %add3A_84 = arith.addf %get3A_80, %get3A_83 : vector<16xf32>
        %ge3A_85 = arith.constant 1.000000e+00 : f32
        %ge3A_86 = vector.broadcast %ge3A_85 : f32 to vector<16xf32>
        %ge3A_87 = arith.cmpf oge, %add3A_84, %ge3A_86 : vector<16xf32>
        %get3A_88 = arith.index_cast %mul3A_77 : i32 to index
        %get3A_89 = tpu.vector_load %arg8[%get3A_88] {strides = array<i32>} : memref<7936xf32, #tpu.memory_space<vmem>>, vector<16xf32>,
        %get3A_90 = vector.shape_cast %get3A_89 : vector<16xf32> to vector<16xf32>
        %jit3A_91 = arith.constant 1.000000e+00 : f32
        %broadcast_in_dim3A_92 = vector.broadcast %jit3A_91 : f32 to vector<16xf32>
        %select_n3A_93 = arith.select %ge3A_87, %broadcast_in_dim3A_92, %get3A_90 : vector<16xi1>, vector<16xf32>
        %swap3A_94 = arith.index_cast %mul3A_77 : i32 to index
        %swap3A_95 = tpu.vector_load %arg8[%swap3A_94] {strides = array<i32>} : memref<7936xf32, #tpu.memory_space<vmem>>, vector<16xf32>,
        %swap3A_96 = vector.shape_cast %swap3A_95 : vector<16xf32> to vector<16xf32>
        %swap3A_97 = vector.shape_cast %select_n3A_93 : vector<16xf32> to vector<16xf32>
        tpu.vector_store %arg8[%swap3A_94], %swap3A_97 {strides = array<i32>} : memref<7936xf32, #tpu.memory_space<vmem>>, vector<16xf32>,
        %scan3A_98 = arith.constant 2 : i32
        %scan3A_99 = arith.addi %scan3A_54, %scan3A_98 : i32
        %mul3A_100 = arith.constant 16 : i32
        %mul3A_101 = arith.muli %scan3A_99, %mul3A_100 : i32
        %get3A_102 = arith.index_cast %mul3A_101 : i32 to index
        %get3A_103 = tpu.vector_load %arg10[%get3A_102] {strides = array<i32>} : memref<7936xf32, #tpu.memory_space<vmem>>, vector<16xf32>,
        %get3A_104 = vector.shape_cast %get3A_103 : vector<16xf32> to vector<16xf32>
        %get3A_105 = arith.index_cast %mul3A_101 : i32 to index
        %get3A_106 = tpu.vector_load %arg9[%get3A_105] {strides = array<i32>} : memref<7936xf32, #tpu.memory_space<vmem>>, vector<16xf32>,
        %get3A_107 = vector.shape_cast %get3A_106 : vector<16xf32> to vector<16xf32>
        %add3A_108 = arith.addf %get3A_104, %get3A_107 : vector<16xf32>
        %ge3A_109 = arith.constant 1.000000e+00 : f32
        %ge3A_110 = vector.broadcast %ge3A_109 : f32 to vector<16xf32>
        %ge3A_111 = arith.cmpf oge, %add3A_108, %ge3A_110 : vector<16xf32>
        %get3A_112 = arith.index_cast %mul3A_101 : i32 to index
        %get3A_113 = tpu.vector_load %arg8[%get3A_112] {strides = array<i32>} : memref<7936xf32, #tpu.memory_space<vmem>>, vector<16xf32>,
        %get3A_114 = vector.shape_cast %get3A_113 : vector<16xf32> to vector<16xf32>
        %jit3A_115 = arith.constant 1.000000e+00 : f32
        %broadcast_in_dim3A_116 = vector.broadcast %jit3A_115 : f32 to vector<16xf32>
        %select_n3A_117 = arith.select %ge3A_111, %broadcast_in_dim3A_116, %get3A_114 : vector<16xi1>, vector<16xf32>
        %swap3A_118 = arith.index_cast %mul3A_101 : i32 to index
        %swap3A_119 = tpu.vector_load %arg8[%swap3A_118] {strides = array<i32>} : memref<7936xf32, #tpu.memory_space<vmem>>, vector<16xf32>,
        %swap3A_120 = vector.shape_cast %swap3A_119 : vector<16xf32> to vector<16xf32>
        %swap3A_121 = vector.shape_cast %select_n3A_117 : vector<16xf32> to vector<16xf32>
        tpu.vector_store %arg8[%swap3A_118], %swap3A_121 {strides = array<i32>} : memref<7936xf32, #tpu.memory_space<vmem>>, vector<16xf32>,
        %scan3A_122 = arith.constant 3 : i32
        %scan3A_123 = arith.addi %scan3A_54, %scan3A_122 : i32
        %mul3A_124 = arith.constant 16 : i32
        %mul3A_125 = arith.muli %scan3A_123, %mul3A_124 : i32
        %get3A_126 = arith.index_cast %mul3A_125 : i32 to index
        %get3A_127 = tpu.vector_load %arg10[%get3A_126] {strides = array<i32>} : memref<7936xf32, #tpu.memory_space<vmem>>, vector<16xf32>,
        %get3A_128 = vector.shape_cast %get3A_127 : vector<16xf32> to vector<16xf32>
        %get3A_129 = arith.index_cast %mul3A_125 : i32 to index
        %get3A_130 = tpu.vector_load %arg9[%get3A_129] {strides = array<i32>} : memref<7936xf32, #tpu.memory_space<vmem>>, vector<16xf32>,
        %get3A_131 = vector.shape_cast %get3A_130 : vector<16xf32> to vector<16xf32>
        %add3A_132 = arith.addf %get3A_128, %get3A_131 : vector<16xf32>
        %ge3A_133 = arith.constant 1.000000e+00 : f32
        %ge3A_134 = vector.broadcast %ge3A_133 : f32 to vector<16xf32>
        %ge3A_135 = arith.cmpf oge, %add3A_132, %ge3A_134 : vector<16xf32>
        %get3A_136 = arith.index_cast %mul3A_125 : i32 to index
        %get3A_137 = tpu.vector_load %arg8[%get3A_136] {strides = array<i32>} : memref<7936xf32, #tpu.memory_space<vmem>>, vector<16xf32>,
        %get3A_138 = vector.shape_cast %get3A_137 : vector<16xf32> to vector<16xf32>
        %jit3A_139 = arith.constant 1.000000e+00 : f32
        %broadcast_in_dim3A_140 = vector.broadcast %jit3A_139 : f32 to vector<16xf32>
        %select_n3A_141 = arith.select %ge3A_135, %broadcast_in_dim3A_140, %get3A_138 : vector<16xi1>, vector<16xf32>
        %swap3A_142 = arith.index_cast %mul3A_125 : i32 to index
        %swap3A_143 = tpu.vector_load %arg8[%swap3A_142] {strides = array<i32>} : memref<7936xf32, #tpu.memory_space<vmem>>, vector<16xf32>,
        %swap3A_144 = vector.shape_cast %swap3A_143 : vector<16xf32> to vector<16xf32>
        %swap3A_145 = vector.shape_cast %select_n3A_141 : vector<16xf32> to vector<16xf32>
        tpu.vector_store %arg8[%swap3A_142], %swap3A_145 {strides = array<i32>} : memref<7936xf32, #tpu.memory_space<vmem>>, vector<16xf32>,
      }
      %scan3A_52 = arith.constant 496 : i32
      %run_scoped3A_53 = arith.constant 0 : i32
      "tpu.region"() ({
        %run_scoped3A_54 = tpu.sem_alloc : memref<!tpu.dma_semaphore, #tpu.memory_space<semaphore_mem>>
        %dma_start3A = tpu.memref_slice %arg6[%squeeze3A, %run_scoped3A_53, %mul3A_46] : memref<16x1x1000000xf32, #tpu.memory_space<hbm>> -> memref<1x1x7936xf32, #tpu.memory_space<hbm>>
        %dma_start3A_55 = tpu.memref_squeeze %dma_start3A : memref<1x1x7936xf32, #tpu.memory_space<hbm>> -> memref<7936xf32, #tpu.memory_space<hbm>>
        %dma_start3A_56 = tpu.memref_slice %arg6[%squeeze3A, %run_scoped3A_53, %mul3A_46] : memref<16x1x1000000xf32, #tpu.memory_space<hbm>> -> memref<1x1x7936xf32, #tpu.memory_space<hbm>>
        %dma_start3A_57 = tpu.memref_squeeze %dma_start3A_56 : memref<1x1x7936xf32, #tpu.memory_space<hbm>> -> memref<7936xf32, #tpu.memory_space<hbm>>
        tpu.enqueue_dma source(%arg8 : memref<7936xf32, #tpu.memory_space<vmem>>) target(%dma_start3A_57 : memref<7936xf32, #tpu.memory_space<hbm>>) target_semaphore(%run_scoped3A_54 : memref<!tpu.dma_semaphore, #tpu.memory_space<semaphore_mem>>)
        %dma_wait3A = tpu.memref_slice %arg6[%squeeze3A, %run_scoped3A_53, %mul3A_46] : memref<16x1x1000000xf32, #tpu.memory_space<hbm>> -> memref<1x1x7936xf32, #tpu.memory_space<hbm>>
        %dma_wait3A_58 = tpu.memref_squeeze %dma_wait3A : memref<1x1x7936xf32, #tpu.memory_space<hbm>> -> memref<7936xf32, #tpu.memory_space<hbm>>
        %dma_wait3A_59 = tpu.memref_slice %arg6[%squeeze3A, %run_scoped3A_53, %mul3A_46] : memref<16x1x1000000xf32, #tpu.memory_space<hbm>> -> memref<1x1x7936xf32, #tpu.memory_space<hbm>>
        %dma_wait3A_60 = tpu.memref_squeeze %dma_wait3A_59 : memref<1x1x7936xf32, #tpu.memory_space<hbm>> -> memref<7936xf32, #tpu.memory_space<hbm>>
        tpu.wait_dma2 semaphore(%run_scoped3A_54 : memref<!tpu.dma_semaphore, #tpu.memory_space<semaphore_mem>>) src(%arg8 : memref<7936xf32, #tpu.memory_space<vmem>>) dst(%dma_wait3A_60 : memref<7936xf32, #tpu.memory_space<hbm>>)
        tpu.yield
      }) : () -> ()
    }
    %convert_element_type3A_38 = arith.extui %and3A : i1 to i32
    %cond3A_39 = arith.constant 0 : i32
    %cond3A_40 = arith.cmpi ne, %convert_element_type3A_38, %cond3A_39 : i32
    scf.if %cond3A_40 {
      %dma_wait3A = arith.constant 0 : i32
      %dma_wait3A_41 = arith.constant 0 : i32
      %dma_wait3A_42 = tpu.memref_slice %arg6[%add3A, %dma_wait3A, %dma_wait3A_41] : memref<16x1x1000000xf32, #tpu.memory_space<hbm>> -> memref<1x1x1000000xf32, #tpu.memory_space<hbm>>
      %dma_wait3A_43 = tpu.memref_squeeze %dma_wait3A_42 : memref<1x1x1000000xf32, #tpu.memory_space<hbm>> -> memref<1x1000000xf32, #tpu.memory_space<hbm>>
      %dma_wait3A_44 = arith.constant 0 : i32
      %dma_wait3A_45 = arith.constant 0 : i32
      %dma_wait3A_46 = tpu.memref_slice %arg5[%add3A, %dma_wait3A_44, %dma_wait3A_45] : memref<16x1x1000000xf32, #tpu.memory_space<hbm>> -> memref<1x1x1000000xf32, #tpu.memory_space<hbm>>
      %dma_wait3A_47 = tpu.memref_squeeze %dma_wait3A_46 : memref<1x1x1000000xf32, #tpu.memory_space<hbm>> -> memref<1x1000000xf32, #tpu.memory_space<hbm>>
      tpu.wait_dma2 semaphore(%arg11 : memref<!tpu.dma_semaphore, #tpu.memory_space<semaphore_mem>>) src(%dma_wait3A_47 : memref<1x1000000xf32, #tpu.memory_space<hbm>>) dst(%dma_wait3A_43 : memref<1x1000000xf32, #tpu.memory_space<hbm>>)
    } else {
    }
    return
  }
}

module attributes {stable_mosaic.version = 14 : i64} {
  func.func @_fix_body(%arg0: i32, %arg1: memref<16x1x128xf32, #tpu.memory_space<vmem>>, %arg2: memref<1xi32, #tpu.memory_space<smem>>, %arg3: memref<1x1x64xf32, #tpu.memory_space<vmem>>, %arg4: memref<64xf32, #tpu.memory_space<vmem>>, %arg5: memref<1x1x64xf32, #tpu.memory_space<vmem>>, %arg6: memref<16x1x128xf32, #tpu.memory_space<vmem>>) attributes {dimension_semantics = [#tpu.dimension_semantics<arbitrary>], iteration_bounds = array<i64: 1>, scalar_prefetch = 0 : i64, scratch_operands = 0 : i64, tpu.core_type = #tpu.core_type<tc>, window_params = [{transform_indices = @transform_0, window_bounds = array<i64: 16, 1, 128>}, {transform_indices = @transform_1, window_bounds = array<i64: 1>}, {pipeline_mode = #tpu.pipeline_mode<synchronous>, transform_indices = @transform_2, window_bounds = array<i64: 1, 1, 64>}, {pipeline_mode = #tpu.pipeline_mode<synchronous>, transform_indices = @transform_3, window_bounds = array<i64: 64>}, {pipeline_mode = #tpu.pipeline_mode<synchronous>, transform_indices = @transform_4, window_bounds = array<i64: 1, 1, 64>}, {transform_indices = @transform_5, window_bounds = array<i64: 16, 1, 128>}]} {
    %get3A = arith.constant 0 : index
    %get3A_0 = memref.load %arg2[%get3A] : memref<1xi32, #tpu.memory_space<smem>>
    %get3A_1 = arith.constant 0 : index
    %get3A_2 = arith.constant 0 : index
    %get3A_3 = arith.constant 0 : index
    %get3A_4 = vector.load %arg1[%get3A_1, %get3A_2, %get3A_3] : memref<16x1x128xf32, #tpu.memory_space<vmem>>, vector<16x1x128xf32>
    %swap3A = arith.constant 0 : index
    %swap3A_5 = arith.constant 0 : index
    %swap3A_6 = arith.constant 0 : index
    %swap3A_7 = vector.load %arg6[%swap3A, %swap3A_5, %swap3A_6] : memref<16x1x128xf32, #tpu.memory_space<vmem>>, vector<16x1x128xf32>
    tpu.vector_store %arg6[%swap3A, %swap3A_5, %swap3A_6], %get3A_4 {strides = array<i32>} : memref<16x1x128xf32, #tpu.memory_space<vmem>>, vector<16x1x128xf32>,
    %get3A_8 = arith.constant 0 : index
    %get3A_9 = vector.load %arg4[%get3A_8] : memref<64xf32, #tpu.memory_space<vmem>>, vector<64xf32>
    %get3A_10 = arith.constant 0 : index
    %get3A_11 = arith.constant 0 : index
    %get3A_12 = arith.constant 0 : index
    %get3A_13 = vector.load %arg3[%get3A_10, %get3A_11, %get3A_12] : memref<1x1x64xf32, #tpu.memory_space<vmem>>, vector<1x1x64xf32>
    %get3A_14 = vector.shape_cast %get3A_13 : vector<1x1x64xf32> to vector<64xf32>
    %add3A = arith.addf %get3A_9, %get3A_14 : vector<64xf32>
    %ge3A = arith.constant 1.000000e+00 : f32
    %ge3A_15 = vector.broadcast %ge3A : f32 to vector<64xf32>
    %ge3A_16 = arith.cmpf oge, %add3A, %ge3A_15 : vector<64xf32>
    %get3A_17 = arith.constant 0 : index
    %get3A_18 = arith.constant 0 : index
    %get3A_19 = arith.constant 0 : index
    %get3A_20 = vector.load %arg5[%get3A_17, %get3A_18, %get3A_19] : memref<1x1x64xf32, #tpu.memory_space<vmem>>, vector<1x1x64xf32>
    %get3A_21 = vector.shape_cast %get3A_20 : vector<1x1x64xf32> to vector<64xf32>
    %jit3A = arith.constant 1.000000e+00 : f32
    %broadcast_in_dim3A = vector.broadcast %jit3A : f32 to vector<64xf32>
    %select_n3A = arith.select %ge3A_16, %broadcast_in_dim3A, %get3A_21 : vector<64xi1>, vector<64xf32>
    %broadcast_in_dim3A_22 = vector.shape_cast %select_n3A : vector<64xf32> to vector<1x64xf32>
    %swap3A_23 = arith.index_cast %get3A_0 : i32 to index
    %swap3A_24 = arith.constant 0 : index
    %swap3A_25 = arith.constant 0 : index
    %swap3A_26 = vector.load %arg6[%swap3A_23, %swap3A_24, %swap3A_25] : memref<16x1x128xf32, #tpu.memory_space<vmem>>, vector<1x1x64xf32>
    %swap3A_27 = vector.shape_cast %swap3A_26 : vector<1x1x64xf32> to vector<1x64xf32>
    %swap3A_28 = vector.shape_cast %broadcast_in_dim3A_22 : vector<1x64xf32> to vector<1x1x64xf32>
    tpu.vector_store %arg6[%swap3A_23, %swap3A_24, %swap3A_25], %swap3A_28 {strides = array<i32>} : memref<16x1x128xf32, #tpu.memory_space<vmem>>, vector<1x1x64xf32>,
    return
  }
  func.func @transform_0(%arg0: i32) -> (i32, i32, i32) {
    %c0_i32 = arith.constant 0 : i32
    %c0_i32_0 = arith.constant 0 : i32
    %c7812_i32 = arith.constant 7812 : i32
    %c0_i32_1 = arith.constant 0 : i32
    return %c0_i32, %c0_i32_0, %c7812_i32 : i32, i32, i32
  }
  func.func @transform_1(%arg0: i32) -> i32 {
    %c0_i32 = arith.constant 0 : i32
    %c0_i32_0 = arith.constant 0 : i32
    return %c0_i32 : i32
  }
  func.func @transform_2(%arg0: i32) -> (i32, i32, i32) {
    %c0_i32 = arith.constant 0 : i32
    %c0_i32_0 = arith.constant 0 : i32
    %c0_i32_1 = arith.constant 0 : i32
    %c0_i32_2 = arith.constant 0 : i32
    return %c0_i32, %c0_i32_0, %c0_i32_1 : i32, i32, i32
  }
  func.func @transform_3(%arg0: i32) -> i32 {
    %c0_i32 = arith.constant 0 : i32
    %c0_i32_0 = arith.constant 0 : i32
    return %c0_i32 : i32
  }
  func.func @transform_4(%arg0: i32) -> (i32, i32, i32) {
    %c0_i32 = arith.constant 0 : i32
    %c0_i32_0 = arith.constant 0 : i32
    %c0_i32_1 = arith.constant 0 : i32
    %c0_i32_2 = arith.constant 0 : i32
    return %c0_i32, %c0_i32_0, %c0_i32_1 : i32, i32, i32
  }
  func.func @transform_5(%arg0: i32) -> (i32, i32, i32) {
    %c0_i32 = arith.constant 0 : i32
    %c0_i32_0 = arith.constant 0 : i32
    %c7812_i32 = arith.constant 7812 : i32
    %c0_i32_1 = arith.constant 0 : i32
    return %c0_i32, %c0_i32_0, %c7812_i32 : i32, i32, i32
  }
}

</mosaic_0001>

<sc_bundles>
// kernel: kernel.4.cloned.1.call-start
scs
__scs_entry_jumppad:
0x0: {  	(pc) =	sbr.rel $0x88, $3  }
0x1: {  	(tag) =	ssettag $0x0;
	lr =	simm.s32 $0x1  }
0x2: {  	[smem:$0x3F9D] =	sst lr;
	_ =	strace $0xD0000000  }
0x3: {  	_ = 	snop  }
0x4: {  	_ = 	snop  }
0x5: {  	_ = 	snop  }
0x6: {  	_ = 	snop  }
0x7: {  	_ = 	snop  }
__scs_overlays_trampoline_lowered:
0x8: {  	[smem:$0x3FAC] =	sst s0  }
0x9: {  	[smem:$0x3FAD] =	sst s1  }
0xa: {  	[smem:$0x3FAE] =	sst s2  }
0xb: {  	[smem:$0x3FAF] =	sst s3  }
0xc: {  	[smem:$0x3FB0] =	sst s4  }
0xd: {  	[smem:$0x3FB1] =	sst s5  }
0xe: {  	[smem:$0x3FB2] =	sst s6  }
0xf: {  	[smem:$0x3FB3] =	sst s7  }
0x10: {  	[smem:$0x3FB4] =	sst s8  }
0x11: {  	[smem:$0x3FB5] =	sst s9;
	s0 =	simm.s32 @!p0 $0x0  }
0x12: {  	s1 =	sld [smem:$0x3F9B];
	s0 =	simm.s32 @p0 $0x1  }
0x13: {  	[smem:$0x3FB6] =	sst s0;
	s0 =	simm.s32 @!p1 $0x0  }
0x14: {  	s2 =	sld [smem:$0x3F9A];
	s0 =	simm.s32 @p1 $0x1  }
0x15: {  	[smem:$0x3FB7] =	sst s0;
	s0 =	simm.s32 @!p2 $0x0  }
0x16: {  	s3 =	sld [smem:$0x3FDB];
	s0 =	simm.s32 @p2 $0x1  }
0x17: {  	s4 =	simm.s32 $0x1BF5;
	[smem:$0x3FB9] =	sst s0  }
0x18: {  	s0 =	sld [smem:$0x3F9C];
	_ =	swait.ge [sflag:s4], $0x0  }
0x19: {  	s7 =	sld [smem:$0x3F9D]  }
0x1a: {  	s8 =	sadd.s32 $0xFFFFE003, lr  }
0x1b: {  	s9 =	sadd.s32 $0xFFFFFEF7, lr;
	s5 =	simm.s32 $0xFFFFFFFF;
	p2 =	slt.u32 s8, $0xFFFFF086  }
0x1c: {  	p1 =	slt.u32 s9, $0xF7A;
	s5 =	simm.s32 @!p2 $0x0  }
0x1d: {  	s5 =	simm.s32 @p1 $0x1;
	p0 =	seq.s32 s7, s2  }
0x1e: {  	s7 =	smul.u32 @!p0 $0xF7A, s2;
	p2 =	seq.s32 @!p0 s5, $0x0  }
0x1f: {  	s9 =	smul.u32 $0xF7A, s1;
	s8 =	simm.s32 @!p0 $0x1BF5;
	p2 =	por !p2, p0  }
0x20: {  	[sflag:s8] =	ssyncset.s32 @!p0 $0xFFFFF086;
	s6 =	sadd.s32 @!p0 s3, s7;
	s7 =	simm.s32 @!p0 $0x108  }
0x21: {  	s3 =	sadd.s32 s3, s9;
	s6 =	sadd.s32 @!p0 $0x88, s6;
	s7 =	simm.s32 @p2 $0x1082  }
0x22: {  	[simem:s7], [sflag:s8] =	dma.local @!p0 [hbm:s6], $0xF7A  }
0x23: {  	s9 =	sor.u32 $0xD0000000, s2;
	s6 =	simm.s32 $0x108;
	_ =	swait.ge @!p0 [sflag:s8], $0x0  }
0x24: {  	s3 =	sadd.s32 $0x88, s3;
	s6 =	simm.s32 @!p1 $0x1082;
	[sflag:s4] =	ssyncset.s32 $0xFFFFF086  }
0x25: {  	[simem:s6], [sflag:s4] =	dma.local [hbm:s3], $0xF7A  }
0x26: {  	[smem:$0x3F9D] =	sst s1;
	(tag) =	ssettag s2;
	_ =	strace s9  }
0x27: {  	s1 =	sld [smem:$0x3FAD]  }
0x28: {  	s2 =	sld [smem:$0x3FAE]  }
0x29: {  	s4 =	sld [smem:$0x3FB0]  }
0x2a: {  	p0 =	seq.s32 s5, $0x0;
	s5 =	sld [smem:$0x3FB1]  }
0x2b: {  	s6 =	sld [smem:$0x3FB2]  }
0x2c: {  	s7 =	sld [smem:$0x3FB3]  }
0x2d: {  	s3 =	simm.s32 $0x108;
	s8 =	sld [smem:$0x3FB4]  }
0x2e: {  	s3 =	simm.s32 @!p0 $0x1082;
	s9 =	sld [smem:$0x3FB5]  }
0x2f: {  	lr =	sadd.s32 s0, s3;
	s0 =	sld [smem:$0x3FAC]  }
0x30: {  	s3 =	sld [smem:$0x3FAF]  }
0x31: {  	[smem:$0x3FB8] =	sst s10  }
0x32: {  	s10 =	sld [smem:$0x3FB6];
	_ =	sdelay $0x3  }
0x33: {  	p0 =	seq.s32 s10, $0x1;
	s10 =	sld [smem:$0x3FB8];
	_ =	sdelay $0x3  }
0x34: {  	[smem:$0x3FB8] =	sst s10  }
0x35: {  	s10 =	sld [smem:$0x3FB7];
	_ =	sdelay $0x3  }
0x36: {  	p1 =	seq.s32 s10, $0x1;
	s10 =	sld [smem:$0x3FB8];
	_ =	sdelay $0x3  }
0x37: {  	[smem:$0x3FB8] =	sst s10  }
0x38: {  	s10 =	sld [smem:$0x3FB9]  }
0x39: {  	_ = 	snop;
	(pc) =	sbr.ind lr, $3  }
0x3a: {  	_ = 	snop  }
0x3b: {  	_ = 	snop  }
0x3c: {  	p2 =	seq.s32 s10, $0x1;
	s10 =	sld [smem:$0x3FB8]  }
0x3d: {  	_ =	shalt  }
0x3e: {  	_ =	shalt  }
0x3f: {  	_ =	shalt  }
0x40: {  	_ =	shalt  }
0x41: {  	_ =	shalt  }
0x42: {  	_ =	shalt  }
0x43: {  	_ =	shalt  }
0x44: {  	_ =	shalt  }
0x45: {  	_ =	shalt  }
0x46: {  	_ =	shalt  }
0x47: {  	_ =	shalt  }
0x48: {  	_ =	shalt  }
0x49: {  	_ =	shalt  }
0x4a: {  	_ =	shalt  }
0x4b: {  	_ =	shalt  }
0x4c: {  	_ =	shalt  }
0x4d: {  	_ =	shalt  }
0x4e: {  	_ =	shalt  }
0x4f: {  	_ =	shalt  }
0x50: {  	_ =	shalt  }
0x51: {  	_ =	shalt  }
0x52: {  	_ =	shalt  }
0x53: {  	_ =	shalt  }
0x54: {  	_ =	shalt  }
0x55: {  	_ =	shalt  }
0x56: {  	_ =	shalt  }
0x57: {  	_ =	shalt  }
0x58: {  	_ =	shalt  }
0x59: {  	_ =	shalt  }
0x5a: {  	_ =	shalt  }
0x5b: {  	_ =	shalt  }
0x5c: {  	_ =	shalt  }
0x5d: {  	_ =	shalt  }
0x5e: {  	_ =	shalt  }
0x5f: {  	_ =	shalt  }
0x60: {  	_ =	shalt  }
0x61: {  	_ =	shalt  }
0x62: {  	_ =	shalt  }
0x63: {  	_ =	shalt  }
0x64: {  	_ =	shalt  }
0x65: {  	_ =	shalt  }
0x66: {  	_ =	shalt  }
0x67: {  	_ =	shalt  }
0x68: {  	_ =	shalt  }
0x69: {  	_ =	shalt  }
0x6a: {  	_ =	shalt  }
0x6b: {  	_ =	shalt  }
0x6c: {  	_ =	shalt  }
0x6d: {  	_ =	shalt  }
0x6e: {  	_ =	shalt  }
0x6f: {  	_ =	shalt  }
0x70: {  	_ =	shalt  }
0x71: {  	_ =	shalt  }
0x72: {  	_ =	shalt  }
0x73: {  	_ =	shalt  }
0x74: {  	_ =	shalt  }
0x75: {  	_ =	shalt  }
0x76: {  	_ =	shalt  }
0x77: {  	_ =	shalt  }
0x78: {  	_ =	shalt  }
0x79: {  	_ =	shalt  }
0x7a: {  	_ =	shalt  }
0x7b: {  	_ =	shalt  }
0x7c: {  	_ =	shalt  }
0x7d: {  	_ =	shalt  }
0x7e: {  	_ =	shalt  }
0x7f: {  	_ =	shalt  }
0x80: {  	_ =	shalt  }
0x81: {  	_ =	shalt  }
0x82: {  	_ =	shalt  }
0x83: {  	_ =	shalt  }
0x84: {  	_ =	shalt  }
0x85: {  	_ =	shalt  }
0x86: {  	_ =	shalt  }
0x87: {  	_ =	shalt  }
.Lfunc_end0:
.L_simem_size_0:
called_computation_lowered:
.L_overlay_start_0:
0x88: {  	s2 =	sld [smem:$0x3FD9]  }
0x89: {  	s3 =	sld [smem:$0x3FFE];
	_ =	sdelay $0x1  }
0x8a: {  	s1 =	srdreg.scid  }
0x8b: {  	s0 =	sand.u32 $0x1, s1  }
0x8c: {  	s17 =	sshll.u32 s0, $0xA;
	s2 =	sadd.s32 s3, s2  }
0x8d: {  	s2 =	sadd.s32 s2, s17  }
0x8e: {  	[smem:$0x3FC4] =	sst s2  }
0x8f: {  	_ = 	snop  }
0x90: {  	s2 =	sld [smem:$0x3FC8]  }
0x91: {  	s18 =	sld [smem:$0x3FC7]  }
0x92: {  	s4 =	sld [smem:$0x3FC6]  }
0x93: {  	s5 =	sld [smem:$0x3FD0];
	(tm) =	ssettm $0x1  }
0x94: {  	s6 =	sld [smem:$0x3FFB];
	_ =	sdelay $0x3  }
0x95: {  	_ =	strace s6  }
0x96: {  	s6 =	sld [smem:$0x3FFC];
	_ =	sdelay $0x3  }
0x97: {  	_ =	strace s6  }
0x98: {  	s6 =	sld [smem:$0x3FFD];
	_ =	sdelay $0x3  }
0x99: {  	_ =	strace s6  }
0x9a: {  	_ =	strace $0x8FFFFFFF  }
0x9b: {  	s19 =	sld [smem:$0x3FDB];
	_ =	sdelay $0x1  }
0x9c: {  	s7 =	simm.s32 $_scs_section_size  }
0x9d: {  	s8 =	simm.s32 $_size__tile_overlayer_lowered;
	s9 =	simm.s32 $_tile_overlayer_lowered  }
0x9e: {  	s22 =	simm.s32 $0x1BFF;
	s21 =	sshll.u32 s9, $0x1;
	s6 =	sadd.s32 s7, s19  }
0x9f: {  	s10 =	simm.s32 $0x0;
	s20 =	sshll.u32 s8, $0x1;
	s8 =	sadd.s32 s21, s6  }
0xa0: {  	[timem:s10], [sflag:s22] =	dma.local [hbm:s8], s20  }
0xa1: {  	_ =	swait.ge [sflag:s22], s20  }
0xa2: {  	s7 =	ssub.s32 $0x0, s20;
	[sflag:s22] =	ssyncset.done $0x0  }
0xa3: {  	[sflag:s22] =	ssyncadd.s32 s7;
	_ =	sdelay $0x1  }
0xa4: {  	s23 =	simm.s32 $0x1B8B  }
0xa5: {  	_ =	swait.ge [sflag:s23], $0x1  }
0xa6: {  	[sflag:s23] =	ssyncset.done $0x0  }
0xa7: {  	s25 =	simm.s32 $0x1B8E;
	s24 =	sld [smem:$0x3FFE];
	[sflag:s23] =	ssyncadd.s32 $0xFFFFFFFF  }
0xa8: {  	s26 =	simm.s32 $execute0_lowered;
	[smem:$0x3FD2] =	sst s25  }
0xa9: {  	s8 =	sshll.u32 s26, $0x1;
	_ =	strace $0x80000046;
	[dreg:$0x1] =	wrdreg $0xFFFFFFFF  }
0xaa: {  	s28 =	simm.s32 $_size_execute0_lowered;
	s6 =	sadd.s32 s6, s8;
	[dreg:$0x0] =	wrdreg $0x0  }
0xab: {  	s8 =	sshll.u32 s28, $0x1;
	[dreg:$0x2] =	wrdreg s6  }
0xac: {  	[dreg:$0x3] =	wrdreg s8  }
0xad: {  	[dreg:$0x4] =	wrdreg $0xC0  }
0xae: {  	_ =	task [dreg:s10], $0x5FFFF  }
0xaf: {  	[dreg:$0x1] =	wrdreg $0xFFFFFFFF  }
0xb0: {  	[dreg:$0x0] =	wrdreg $0x60  }
0xb1: {  	[dreg:$0x2] =	wrdreg s24  }
0xb2: {  	[dreg:$0x3] =	wrdreg s2  }
0xb3: {  	[dreg:$0x4] =	wrdreg s18  }
0xb4: {  	[dreg:$0x5] =	wrdreg s4  }
0xb5: {  	[dreg:$0x6] =	wrdreg s5  }
0xb6: {  	[dreg:$0x7] =	wrdreg $0x9  }
0xb7: {  	_ =	task.clear_ibuf [dreg:s10], $0x8FFFF;
	_ =	strace $0x90000046  }
0xb8: {  	s29 =	simm.s32 $0x9;
	_ =	strace $0x80000048  }
0xb9: {  	_ =	swait.ge [sflag:s29], $0x1  }
0xba: {  	[sflag:s29] =	ssyncadd.s32 $0xFFFFFFFF  }
0xbb: {  	_ =	strace $0x90000048  }
0xbc: {  	_ =	sfence  }
0xbd: {  	s30 =	sld [smem:$0x0];
	_ =	sdelay $0x2  }
0xbe: {  	s31 =	sshll.u32 s1, $0xD;
	s1 =	sshrl.u32 s1, $0x2  }
0xbf: {  	s3 =	sand.u32 $0x4000, s31;
	s1 =	sadd.s32 s1, s30  }
0xc0: {  	s0 =	sor.u32 s3, s0;
	s1 =	sshll.u32 s1, $0x11  }
0xc1: {  	s0 =	sor.u32 s1, s0  }
0xc2: {  	s0 =	sadd.s32 $0x8F2B, s0  }
0xc3: {  	[sflag:s0] =	ssyncadd.remote.s32 $0x1  }
0xc4: {  	_ =	sfence.sel $0xFFFF  }
0xc5: {  	[dreg:$0x0] =	wrdreg $0xFFFFFFFF;
	(pc) =	sbr.abs _section_cstart, $3  }
0xc6: {  	[dreg:$0x1] =	wrdreg $0xFFFFFFFF  }
0xc7: {  	_ =	task.clear_ibuf [dreg:s10], $0x2FFFF;
	_ =	strace $0x9FFFFFFF  }
0xc8: {  	(tm) =	ssettm $0x7FFFFFFF  }
0xc9: {  	_ =	shalt  }
tec
execute0_lowered:
.L_overlay_start_1:
0x0: {  	(tag) =	ssettag $0x1  }
0x1: {  	s8 =	rddreg [dreg:$0x0]  }
0x2: {  	s1 =	rddreg [dreg:$0x1]  }
0x3: {  	s2 =	rddreg [dreg:$0x2]  }
0x4: {  	s4 =	rddreg [dreg:$0x3]  }
0x5: {  	s3 =	srdreg.scid;
	s0 =	stileid.u32  }
0x6: {  	s5 =	rddreg [dreg:$0x4];
	s6 =	simm.s32 $0x0;
	s13 =	simm.s32 $0x2  }
0x7: {  	s14 =	simm.s32 $0x80;
	s15 =	simm.s32 $0x1F80;
	s16 =	simm.s32 $0x3E80  }
0x8: {  	s17 =	simm.s32 $0x0;
	s9 =	sand.u32 $0x1, s3;
	s3 =	rddreg [dreg:$0x5]  }
0x9: {  	s7 =	sshll.u32 s0, $0x1;
	[smem:$0x7FF] =	sst s6;
	s8 =	sadd.s32 $0x800, s8  }
0xa: {  	p0 =	slt.u32 s0, $0x8;
	s7 =	sor.u32 s9, s7;
	s9 =	ssub.s32 $0x2, s9  }
0xb: {  	s10 =	smul.u32 $0x1E850, s7;
	s11 =	sshrl.u32 s9, $0x1;
	s31 =	ssub.s32 $0x9D, s7  }
0xc: {  	_ =	strace $0x80000047;
	s12 =	ssub.s32 s9, s11;
	s11 =	sshrl.u32 s31, $0x5  }
0xd: {  	s9 =	sadd.s32 s5, s10;
	s10 =	sadd.s32 s4, s10;
	s12 =	smax.u32 s12, $0x1  }
.LBB2_1:
0xe: {  	[tilespmem:s6], [sflag:$0x2] =	stream.linear.gather [hbm4b:s8+s6], $0x80, $0x38;
	[tilespmem:$0x5D80] =	vst v63  }
0xf: {  	_ =	swait.ge [sflag:s13], $0x80  }
0x10: {  	[sflag:s13] =	ssyncset.done $0x0  }
0x11: {  	[sflag:s13] =	ssyncadd.s32 $0xFFFFFF80  }
0x12: {  	v0 =	vld [tilespmem:$0x0];
	_ =	sdelay $0x4  }
0x13: {  	(v2sf) =	vpush v0, $0x0;
	_ =	sdelay $0xe  }
0x14: {  	s18 =	spop (v2sf)  }
0x15: {  	p1 =	sne.s32 s7, s18  }
0x16: {  	p1 =	por !p0, !p1  }
0x17: {  	p1 =	por !p1, !p1  }
0x18: {  	s19 =	sshll.u32 @p1 s0, $0x6  }
0x19: {  	s19 =	sor.u32 @p1 $0x1C01, s19  }
0x1a: {  	[hbm:s9], [sflag:s19] =	dma.local @p1 [hbm:s10], $0x1E850  }
0x1b: {  	s18 =	smul.u32 $0xF4280, s18;
	s19 =	simm.s32 $0x0  }
.LBB2_2:
0x1c: {  	s20 =	sshll.u32 s19, $0x5  }
0x1d: {  	s20 =	sor.u32 s7, s20  }
0x1e: {  	s21 =	smul.u32 $0x1F00, s20;
	_ =	sdelay $0x1  }
0x1f: {  	s20 =	sadd.s32 s18, s21  }
0x20: {  	s20 =	sshrl.u32 s20, $0x3  }
0x21: {  	s22 =	sadd.s32 s4, s20  }
0x22: {  	[tilespmem:s14], [sflag:$0x2] =	stream.linear.gather [hbm4b:s22+s6], $0x1F00, $0x38;
	[tilespmem:$0x5D80] =	vst v63  }
0x23: {  	_ =	swait.ge [sflag:s13], $0x1F00  }
0x24: {  	[sflag:s13] =	ssyncset.done $0x0  }
0x25: {  	s31 =	sadd.s32 s1, s20;
	[sflag:s13] =	ssyncadd.s32 $0xFFFFE100  }
0x26: {  	[tilespmem:s15], [sflag:$0x2] =	stream.linear.gather [hbm4b:s31+s6], $0x1F00, $0x38;
	[tilespmem:$0x5D80] =	vst v63  }
0x27: {  	_ =	swait.ge [sflag:s13], $0x1F00  }
0x28: {  	s21 =	sshrl.u32 s21, $0x3;
	[sflag:s13] =	ssyncset.done $0x0  }
0x29: {  	s21 =	sadd.s32 s2, s21;
	[sflag:s13] =	ssyncadd.s32 $0xFFFFE100  }
0x2a: {  	[tilespmem:s16], [sflag:$0x2] =	stream.linear.gather [hbm4b:s21+s6], $0x1F00, $0x38;
	[tilespmem:$0x5D80] =	vst v63  }
0x2b: {  	_ =	swait.ge [sflag:s13], $0x1F00  }
0x2c: {  	[sflag:s13] =	ssyncset.done $0x0  }
0x2d: {  	s23 =	simm.s32 $0x3EA0;
	[sflag:s13] =	ssyncadd.s32 $0xFFFFE100  }
0x2e: {  	s21 =	simm.s32 $0x1FA0;
	v0 =	vld [tilespmem:s23+$0xFFFFFFE0]  }
0x2f: {  	v1 =	vld [tilespmem:s21+$0xFFFFFFE0];
	_ =	sdelay $0x1  }
0x30: {  	s22 =	simm.s32 $0xA0  }
0x31: {  	v2 =	vld [tilespmem:s22+$0xFFFFFFE0];
	_ =	sdelay $0x1  }
0x32: {  	v0 =	vadd.f32 v1, v0;
	_ =	sdelay $0x1  }
0x33: {  	vm0 =	vge.f32 v0, $1.000000000e+00  }
0x34: {  	v0 =	vsel vm0, $0x3F800000, v2  }
0x35: {  	[tilespmem:s22+$0xFFFFFFE0] =	vst v0  }
0x36: {  	v0 =	vld [tilespmem:s23+$0xFFFFFFF0]  }
0x37: {  	v1 =	vld [tilespmem:s21+$0xFFFFFFF0];
	_ =	sdelay $0x2  }
0x38: {  	v2 =	vld [tilespmem:s22+$0xFFFFFFF0];
	_ =	sdelay $0x1  }
0x39: {  	v0 =	vadd.f32 v1, v0;
	_ =	sdelay $0x1  }
0x3a: {  	vm14 =	vge.f32 v0, $1.000000000e+00  }
0x3b: {  	v0 =	vsel vm14, $0x3F800000, v2  }
0x3c: {  	[tilespmem:s22+$0xFFFFFFF0] =	vst v0  }
0x3d: {  	v0 =	vld [tilespmem:s23+$0x0]  }
0x3e: {  	v1 =	vld [tilespmem:s21+$0x0];
	_ =	sdelay $0x2  }
0x3f: {  	v2 =	vld [tilespmem:s22+$0x0];
	_ =	sdelay $0x1  }
0x40: {  	v0 =	vadd.f32 v1, v0;
	_ =	sdelay $0x1  }
0x41: {  	vm15 =	vge.f32 v0, $1.000000000e+00  }
0x42: {  	v0 =	vsel vm15, $0x3F800000, v2  }
0x43: {  	[tilespmem:s22+$0x0] =	vst v0  }
0x44: {  	v1 =	vld [tilespmem:s23+$0x10]  }
0x45: {  	v2 =	vld [tilespmem:s21+$0x10];
	_ =	sdelay $0x2  }
0x46: {  	v0 =	vld [tilespmem:s22+$0x10];
	_ =	sdelay $0x1  }
0x47: {  	s25 =	simm.s32 $0x3EE0;
	s24 =	simm.s32 $0xA0;
	s23 =	simm.s32 $0x0;
	v1 =	vadd.f32 v2, v1  }
.LBB2_3:
0x48: {  	s23 =	sadd.s32 $0x4, s23;
	s22 =	sadd.s32 $0x40, s22;
	s21 =	sadd.s32 $0x40, s21  }
0x49: {  	p2 =	slt.u32 s23, $0x1EC;
	vm0 =	vge.f32 v1, $1.000000000e+00  }
0x4a: {  	v0 =	vsel vm0, $0x3F800000, v0  }
0x4b: {  	[tilespmem:s24+$0x10] =	vst v0;
	s24 =	smov.u32 s22  }
0x4c: {  	v0 =	vld [tilespmem:s25+$0xFFFFFFE0]  }
0x4d: {  	v1 =	vld [tilespmem:s21+$0xFFFFFFE0];
	_ =	sdelay $0x2  }
0x4e: {  	v2 =	vld [tilespmem:s22+$0xFFFFFFE0];
	_ =	sdelay $0x1  }
0x4f: {  	v0 =	vadd.f32 v1, v0;
	_ =	sdelay $0x1  }
0x50: {  	vm0 =	vge.f32 v0, $1.000000000e+00  }
0x51: {  	v0 =	vsel vm0, $0x3F800000, v2  }
0x52: {  	[tilespmem:s22+$0xFFFFFFE0] =	vst v0  }
0x53: {  	v0 =	vld [tilespmem:s25+$0xFFFFFFF0]  }
0x54: {  	v1 =	vld [tilespmem:s21+$0xFFFFFFF0];
	_ =	sdelay $0x1  }
0x55: {  	v2 =	vld [tilespmem:s22+$0xFFFFFFF0];
	_ =	sdelay $0x2  }
0x56: {  	v0 =	vadd.f32 v1, v0;
	_ =	sdelay $0x1  }
0x57: {  	vm0 =	vge.f32 v0, $1.000000000e+00  }
0x58: {  	v0 =	vsel vm0, $0x3F800000, v2  }
0x59: {  	[tilespmem:s22+$0xFFFFFFF0] =	vst v0  }
0x5a: {  	v0 =	vld [tilespmem:s25+$0x0]  }
0x5b: {  	v1 =	vld [tilespmem:s21+$0x0]  }
0x5c: {  	v2 =	vld [tilespmem:s22+$0x0];
	_ =	sdelay $0x3  }
0x5d: {  	v0 =	vadd.f32 v1, v0;
	_ =	sdelay $0x1  }
0x5e: {  	vm0 =	vge.f32 v0, $1.000000000e+00  }
0x5f: {  	v0 =	vsel vm0, $0x3F800000, v2  }
0x60: {  	[tilespmem:s22+$0x0] =	vst v0;
	v0 =	vld [tilespmem:s22+$0x10]  }
0x61: {  	v1 =	vld [tilespmem:s25+$0x10]  }
0x62: {  	v2 =	vld [tilespmem:s21+$0x10]  }
.Ltmp0:
0x63: {  	(pc) =	sbr.rel @p2 .LBB2_3-.Ltmp0, $2  }
0x64: {  	_ =	sdelay $0x2  }
0x65: {  	s25 =	sadd.s32 $0x40, s25;
	v1 =	vadd.f32 v2, v1  }
0x66: {  	_ = 	snop  }
0x67: {  	s19 =	sadd.s32 $0x1, s19;
	vm0 =	vge.f32 v1, $1.000000000e+00  }
0x68: {  	p2 =	sne.s32 s19, s11;
	v0 =	vsel vm0, $0x3F800000, v0  }
.Ltmp1:
0x69: {  	s20 =	sadd.s32 s5, s20;
	[tilespmem:s24+$0x10] =	vst v0;
	(pc) =	sbr.rel @p2 .LBB2_2-.Ltmp1, $4  }
0x6a: {  	[hbm4b:s20+s6] =	stream.linear.scatter [tilespmem:s14], [sflag:$0x2], $0x1F00, $0x38;
	[tilespmem:$0x5D80] =	vst v63  }
0x6b: {  	_ =	swait.ge [sflag:s13], $0x1F00  }
0x6c: {  	[sflag:s13] =	ssyncset.done $0x0  }
0x6d: {  	[sflag:s13] =	ssyncadd.s32 $0xFFFFE100  }
0x6e: {  	s17 =	sadd.s32 $0x1, s17  }
0x6f: {  	p2 =	sne.s32 s17, s12  }
.Ltmp2:
0x70: {  	_ = 	snop;
	(pc) =	sbr.rel @p2 .LBB2_1-.Ltmp2, $4  }
0x71: {  	s18 =	simm.s32 @p1 $0x1  }
0x72: {  	_ =	swait.ge @p1 [sflag:s18], $0x1E850  }
0x73: {  	[sflag:s18] =	ssyncset.done @p1 $0x0  }
0x74: {  	[sflag:s18] =	ssyncadd.s32 @p1 $0xFFFE17B0  }
0x75: {  	_ =	sfence.sel $0x180000  }
0x76: {  	[bflag:$0x0] =	sbarrier.arrive $0xFFFF  }
0x77: {  	p0 =	sne.s32 s0, $0x0;
	_ =	strace $0x90000047  }
0x78: {  	s0 =	sadd.s32 @!p0 $0x100000, s3;
	[bflag:$0x2] =	sbarrier.arrive $0xFFFF  }
0x79: {  	[sflag:s0] =	ssyncadd.tile.s32 @!p0 $0x1;
	_ =	shalt  }
.Lfunc_end2:
_tile_overlayer_lowered:
.L_overlay_start_2:
0x7a: {  	(tag) =	ssettag $0x2  }
0x7b: {  	s0 =	rddreg [dreg:$0x0];
	s2 =	stileid.u32  }
0x7c: {  	s1 =	rddreg [dreg:$0x1];
	p0 =	sne.s32 s2, $0x0  }
0x7d: {  	s3 =	rddreg [dreg:$0x2];
	[bflag:$0x3] =	sbarrier.arrive $0xFFFF;
	s2 =	simm.s32 @!p0 $0x1C02  }
0x7e: {  	[timem:s3], [sflag:s2] =	dma.local @!p0 [hbm:s0], s1  }
0x7f: {  	s0 =	simm.s32 @!p0 $0x2  }
0x80: {  	_ =	swait.ge @!p0 [sflag:s0], s1  }
0x81: {  	s1 =	ssub.s32 @!p0 $0x0, s1;
	[sflag:s0] =	ssyncset.done @!p0 $0x0  }
0x82: {  	[sflag:s0] =	ssyncadd.s32 @!p0 s1  }
0x83: {  	[bflag:$0x3] =	sbarrier.arrive $0xFFFF  }
0x84: {  	_ =	shalt  }

</sc_bundles>
